<compile_context>
chip_gen: v7x
topology: tpu7x:2x2x1
jax: 0.10.2.dev20260603
libtpu: 0.0.44.dev20260713+nightly
codegen_flags: <defaults>
</compile_context>

<pallas_src>
import functools

import jax
import jax.numpy as jnp
from jax import lax
from jax.experimental import pallas as pl
from jax.experimental.pallas import tpu as pltpu
from jax.experimental.pallas import tpu_sc as plsc

B = 16384
V = 1000000
D = 64
NUM = 16
EPS = 1e-3

_NC, _NS = 2, 16
_NW = _NC * _NS
_BPW = B // _NW

_TBLK = 8192
_H = 262144
_HGRID = _H // _TBLK
_CMAX = pl.cdiv(V, _TBLK) - 1


def _xpose_body(t0, t1, t2, t3, out):
    eye = (lax.broadcasted_iota(jnp.int32, (D, D), 0) ==
           lax.broadcasted_iota(jnp.int32, (D, D), 1)).astype(jnp.float32)
    dn = (((0,), (0,)), ((), ()))

    def rne(x):
        bits = lax.bitcast_convert_type(x, jnp.uint32)
        return (bits + 0x7FFF + ((bits >> 16) & 1)) >> 16

    qs = [rne(lax.dot_general(t[...], eye, dn)) for t in (t0, t1, t2, t3)]
    lo = lax.bitcast_convert_type(qs[0] | (qs[1] << 16), jnp.float32)
    hi = lax.bitcast_convert_type(qs[2] | (qs[3] << 16), jnp.float32)
    out[...] = jnp.concatenate([lo, hi], axis=1)


_xpose_call = pl.pallas_call(
    _xpose_body,
    grid=(_HGRID,),
    in_specs=[
        pl.BlockSpec((D, _TBLK),
                     lambda i, q=q: (0, jnp.minimum(q * _HGRID + i, _CMAX)))
        for q in range(4)
    ],
    out_specs=pl.BlockSpec((_TBLK, 2 * D), lambda i: (i, 0)),
    out_shape=jax.ShapeDtypeStruct((_H, 2 * D), jnp.float32),
)



def _sc_gather(idx_hbm, packed_hbm, out_hbm, idx_v, idx2_v, rows_v, sem):
    wid = lax.axis_index("s") * _NC + lax.axis_index("c")
    base = wid * _BPW
    pltpu.sync_copy(idx_hbm.at[pl.ds(base, _BPW)], idx_v)

    def tomod(g, carry):
        sl = pl.ds(g * 16, 16)
        idx2_v[sl] = idx_v[sl] & (_H - 1)
        return carry

    lax.fori_loop(0, _BPW // 16, tomod, 0)
    pltpu.async_copy(packed_hbm.at[idx2_v], rows_v, sem).wait()
    pltpu.sync_copy(rows_v, out_hbm.at[pl.ds(base, _BPW)])


@functools.cache
def _gather_call():
    return functools.partial(
        pl.kernel,
        mesh=plsc.VectorSubcoreMesh(core_axis_name="c", subcore_axis_name="s"),
        out_type=jax.ShapeDtypeStruct((B, 2 * D), jnp.float32),
        compiler_params=pltpu.CompilerParams(use_tc_tiling_on_sc=True),
        scratch_types=[
            pltpu.VMEM((_BPW,), jnp.int32),
            pltpu.VMEM((_BPW,), jnp.int32),
            pltpu.VMEM((_BPW, 2 * D), jnp.float32),
            pltpu.SemaphoreType.DMA,
        ],
    )(_sc_gather)


_BLK = 2048


def _mlp_body(emb2, ids, num, w1, b1, g1, be1, w2, b2, g2, be2, w3, b3, outT):
    s = lax.rsqrt(jnp.float32(1.0 + EPS))
    e2 = emb2[...]
    q = ids[...][:, None] >> 18
    lo = lax.bitcast_convert_type(e2[:, :D], jnp.uint32)
    hi = lax.bitcast_convert_type(e2[:, D:], jnp.uint32)
    qodd = (q & 1) == 1
    e01 = jnp.where(qodd, lo >> 16, lo & 0xFFFF)
    e23 = jnp.where(qodd, hi >> 16, hi & 0xFFFF)
    emb = lax.bitcast_convert_type(
        jnp.where(q >= 2, e23, e01) << 16, jnp.float32)
    w1full = w1[...]
    h = jnp.maximum(emb @ w1full[:D] + num[...] @ w1full[D:] + b1[...], 0.0)
    h = h * (s * g1[...]) + be1[...]
    h = jnp.maximum(h @ w2[...] + b2[...], 0.0)
    h = h * (s * g2[...]) + be2[...]
    o = h @ w3[...] + b3[...]
    sq = jnp.sum(o * o, axis=1, keepdims=True)
    o = o * lax.rsqrt(jnp.maximum(sq, 1e-12))
    outT[...] = o.T


_mlp_call = pl.pallas_call(
    _mlp_body,
    grid=(B // _BLK,),
    in_specs=[
        pl.BlockSpec((_BLK, 2 * D), lambda i: (i, 0)),
        pl.BlockSpec((_BLK,), lambda i: (i,)),
        pl.BlockSpec((_BLK, NUM), lambda i: (i, 0)),
        pl.BlockSpec((D + NUM, 128), lambda i: (0, 0)),
        pl.BlockSpec((128,), lambda i: (0,)),
        pl.BlockSpec((128,), lambda i: (0,)),
        pl.BlockSpec((128,), lambda i: (0,)),
        pl.BlockSpec((128, 64), lambda i: (0, 0)),
        pl.BlockSpec((64,), lambda i: (0,)),
        pl.BlockSpec((64,), lambda i: (0,)),
        pl.BlockSpec((64,), lambda i: (0,)),
        pl.BlockSpec((64, D), lambda i: (0, 0)),
        pl.BlockSpec((D,), lambda i: (0,)),
    ],
    out_specs=pl.BlockSpec((D, _BLK), lambda i: (0, i)),
    out_shape=jax.ShapeDtypeStruct((D, B), jnp.float32),
)


def kernel(user_id, user_numerical_features, table, W1, b1, gamma1, beta1,
           W2, b2, gamma2, beta2, W3, b3):
    idx = user_id.astype(jnp.int32)
    tableT = table.T
    packed = _xpose_call(tableT, tableT, tableT, tableT)
    emb2 = _gather_call()(idx, packed)
    outT = _mlp_call(emb2, idx, user_numerical_features, W1, b1, gamma1,
                     beta1, W2, b2, gamma2, beta2, W3, b3)
    return outT.T

# --- scband reference (transcript-rebuilt; emitter-appended) ---
"""Pipeline reference for scband-user-tower-17119739642240 (READ-ONLY COPY).

The authoritative reference and input builder live on the scoring server;
editing this copy changes nothing except your own understanding.
"""

import jax, jax.numpy as jnp
import numpy as np

B = 16384
V = 1000000
D = 64
NUM = 16
EPS = 1e-3


def setup_inputs(seed: int = 0) -> dict:
    key = jax.random.key(seed)
    ks = jax.random.split(key, 8)
    user_id = jax.random.randint(ks[0], (B,), 0, V, dtype=jnp.int64 if jax.config.jax_enable_x64 else jnp.int32)
    user_numerical_features = jax.random.normal(ks[1], (B, NUM), dtype=jnp.float32)
    table = jax.random.normal(ks[2], (V, D), dtype=jnp.float32) * 0.05
    W1 = jax.random.normal(ks[3], (D + NUM, 128), dtype=jnp.float32) * 0.05
    b1 = jnp.zeros((128,), dtype=jnp.float32)
    gamma1 = jnp.ones((128,), dtype=jnp.float32)
    beta1 = jnp.zeros((128,), dtype=jnp.float32)
    W2 = jax.random.normal(ks[4], (128, 64), dtype=jnp.float32) * 0.05
    b2 = jnp.zeros((64,), dtype=jnp.float32)
    gamma2 = jnp.ones((64,), dtype=jnp.float32)
    beta2 = jnp.zeros((64,), dtype=jnp.float32)
    W3 = jax.random.normal(ks[5], (64, D), dtype=jnp.float32) * 0.05
    b3 = jnp.zeros((D,), dtype=jnp.float32)
    return {
        'user_id': user_id,
        'user_numerical_features': user_numerical_features,
        'table': table,
        'W1': W1, 'b1': b1, 'gamma1': gamma1, 'beta1': beta1,
        'W2': W2, 'b2': b2, 'gamma2': gamma2, 'beta2': beta2,
        'W3': W3, 'b3': b3,
    }


def reference(user_id, user_numerical_features, table, W1, b1, gamma1, beta1, W2, b2, gamma2, beta2, W3, b3):
    # Embedding lookup (SparseCore gather)
    x = jnp.take(table, user_id, axis=0)
    # Concat numerical side features
    x = jnp.concatenate([x, user_numerical_features], axis=-1)
    # dense_1 + batch_norm_1 (inference mode: moving_mean=0, moving_var=1) + dropout (identity at inference)
    h = jax.nn.relu(x @ W1 + b1)
    h = (h - 0.0) * jax.lax.rsqrt(jnp.float32(1.0 + EPS)) * gamma1 + beta1
    # dense_2 + batch_norm_2
    h = jax.nn.relu(h @ W2 + b2)
    h = (h - 0.0) * jax.lax.rsqrt(jnp.float32(1.0 + EPS)) * gamma2 + beta2
    # output layer
    out = h @ W3 + b3
    # tf.nn.l2_normalize along axis=1
    sq = jnp.sum(out * out, axis=1, keepdims=True)
    out = out * jax.lax.rsqrt(jnp.maximum(sq, 1e-12))
    return out

if __name__ == "__main__":
    import jax
    _d = setup_inputs()
    print(jax.jit(kernel)(*tuple(_d.values())))

</pallas_src>

<mosaic_0001>
#map = affine_map<(d0, d1) -> (0)>
#map1 = affine_map<(d0, d1) -> (0, 0)>
module attributes {stable_mosaic.version = 14 : i64} {
  func.func @_sc_gather(%arg0: i32, %arg1: i32, %arg2: memref<16384xi32, #tpu.memory_space<hbm>>, %arg3: memref<262144x128xf32, #tpu.memory_space<hbm>>, %arg4: memref<16384x128xf32, #tpu.memory_space<hbm>>, %arg5: memref<512xi32, #tpu.memory_space<vmem>>, %arg6: memref<512xi32, #tpu.memory_space<vmem>>, %arg7: memref<512x128xf32, #tpu.memory_space<vmem>>, %arg8: memref<!tpu.dma_semaphore, #tpu.memory_space<semaphore_mem>>) attributes {dimension_semantics = [#tpu.dimension_semantics<core_parallel>, #tpu.dimension_semantics<subcore_parallel>], iteration_bounds = array<i64: 2, 16>, scalar_prefetch = 0 : i64, scratch_operands = 4 : i64, tpu.core_type = #tpu.core_type<sc_vector_subcore>, window_params = [{transform_indices = #map}, {transform_indices = #map1}, {transform_indices = #map1}]} {
    %mul3A = arith.constant 2 : i32
    %mul3A_0 = arith.muli %arg1, %mul3A : i32
    %add3A = arith.addi %mul3A_0, %arg0 : i32
    %mul3A_1 = arith.constant 512 : i32
    %mul3A_2 = arith.muli %add3A, %mul3A_1 : i32
    "tpu.region"() ({
      %run_scoped3A = tpu.sem_alloc : memref<!tpu.dma_semaphore, #tpu.memory_space<semaphore_mem>>
      %dma_start3A_12 = tpu.memref_slice %arg2[%mul3A_2] : memref<16384xi32, #tpu.memory_space<hbm>> -> memref<512xi32, #tpu.memory_space<hbm>>
      %dma_start3A_13 = tpu.memref_slice %arg2[%mul3A_2] : memref<16384xi32, #tpu.memory_space<hbm>> -> memref<512xi32, #tpu.memory_space<hbm>>
      tpu.enqueue_dma source(%dma_start3A_13 : memref<512xi32, #tpu.memory_space<hbm>>) target(%arg5 : memref<512xi32, #tpu.memory_space<vmem>>) target_semaphore(%run_scoped3A : memref<!tpu.dma_semaphore, #tpu.memory_space<semaphore_mem>>)
      %dma_wait3A_14 = tpu.memref_slice %arg2[%mul3A_2] : memref<16384xi32, #tpu.memory_space<hbm>> -> memref<512xi32, #tpu.memory_space<hbm>>
      %dma_wait3A_15 = tpu.memref_slice %arg2[%mul3A_2] : memref<16384xi32, #tpu.memory_space<hbm>> -> memref<512xi32, #tpu.memory_space<hbm>>
      tpu.wait_dma2 semaphore(%run_scoped3A : memref<!tpu.dma_semaphore, #tpu.memory_space<semaphore_mem>>) src(%dma_wait3A_15 : memref<512xi32, #tpu.memory_space<hbm>>) dst(%arg5 : memref<512xi32, #tpu.memory_space<vmem>>)
      tpu.yield
    }) : () -> ()
    %scan3A = arith.constant 0 : i32
    %scan3A_3 = arith.constant 0 : i32
    %scan3A_4 = arith.constant 32 : i32
    %scan3A_5 = arith.addi %scan3A_3, %scan3A_4 : i32
    %scan3A_6 = arith.constant 1 : i32
    scf.for %scan3A_12 = %scan3A_3 to %scan3A_5 step %scan3A_6  : i32 {
      %mul3A_13 = arith.constant 16 : i32
      %mul3A_14 = arith.muli %scan3A_12, %mul3A_13 : i32
      %get3A = arith.index_cast %mul3A_14 : i32 to index
      %get3A_15 = tpu.vector_load %arg5[%get3A] {strides = array<i32>} : memref<512xi32, #tpu.memory_space<vmem>>, vector<16xi32>,
      %get3A_16 = vector.shape_cast %get3A_15 : vector<16xi32> to vector<16xi32>
      %and3A = arith.constant 262143 : i32
      %and3A_17 = vector.broadcast %and3A : i32 to vector<16xi32>
      %and3A_18 = arith.andi %get3A_16, %and3A_17 : vector<16xi32>
      %swap3A = arith.index_cast %mul3A_14 : i32 to index
      %swap3A_19 = tpu.vector_load %arg6[%swap3A] {strides = array<i32>} : memref<512xi32, #tpu.memory_space<vmem>>, vector<16xi32>,
      %swap3A_20 = vector.shape_cast %swap3A_19 : vector<16xi32> to vector<16xi32>
      %swap3A_21 = vector.shape_cast %and3A_18 : vector<16xi32> to vector<16xi32>
      tpu.vector_store %arg6[%swap3A], %swap3A_21 {strides = array<i32>} : memref<512xi32, #tpu.memory_space<vmem>>, vector<16xi32>,
    }
    %scan3A_7 = arith.constant 32 : i32
    %dma_start3A = arith.constant 0 : i32
    %dma_start3A_8 = arith.constant 0 : i32
    %dma_start3A_9 = tpu.memref_slice %arg3[%dma_start3A, %dma_start3A_8] : memref<262144x128xf32, #tpu.memory_space<hbm>> -> memref<262144x128xf32, #tpu.memory_space<hbm>>
    tpu.enqueue_indirect_dma source(%dma_start3A_9 : memref<262144x128xf32, #tpu.memory_space<hbm>>) target(%arg7 : memref<512x128xf32, #tpu.memory_space<vmem>>) offsets(%arg6 : memref<512xi32, #tpu.memory_space<vmem>>) semaphore(%arg8 : memref<!tpu.dma_semaphore, #tpu.memory_space<semaphore_mem>>)
    %dma_wait3A = arith.constant 0 : i32
    %dma_wait3A_10 = arith.constant 0 : i32
    %dma_wait3A_11 = tpu.memref_slice %arg3[%dma_wait3A, %dma_wait3A_10] : memref<262144x128xf32, #tpu.memory_space<hbm>> -> memref<262144x128xf32, #tpu.memory_space<hbm>>
    tpu.wait_indirect_dma semaphore(%arg8 : memref<!tpu.dma_semaphore, #tpu.memory_space<semaphore_mem>>) src(%dma_wait3A_11 : memref<262144x128xf32, #tpu.memory_space<hbm>>) dst(%arg7 : memref<512x128xf32, #tpu.memory_space<vmem>>)
    "tpu.region"() ({
      %run_scoped3A = tpu.sem_alloc : memref<!tpu.dma_semaphore, #tpu.memory_space<semaphore_mem>>
      %dma_start3A_12 = arith.constant 0 : i32
      %dma_start3A_13 = tpu.memref_slice %arg4[%mul3A_2, %dma_start3A_12] : memref<16384x128xf32, #tpu.memory_space<hbm>> -> memref<512x128xf32, #tpu.memory_space<hbm>>
      %dma_start3A_14 = arith.constant 0 : i32
      %dma_start3A_15 = tpu.memref_slice %arg4[%mul3A_2, %dma_start3A_14] : memref<16384x128xf32, #tpu.memory_space<hbm>> -> memref<512x128xf32, #tpu.memory_space<hbm>>
      tpu.enqueue_dma source(%arg7 : memref<512x128xf32, #tpu.memory_space<vmem>>) target(%dma_start3A_15 : memref<512x128xf32, #tpu.memory_space<hbm>>) target_semaphore(%run_scoped3A : memref<!tpu.dma_semaphore, #tpu.memory_space<semaphore_mem>>)
      %dma_wait3A_16 = arith.constant 0 : i32
      %dma_wait3A_17 = tpu.memref_slice %arg4[%mul3A_2, %dma_wait3A_16] : memref<16384x128xf32, #tpu.memory_space<hbm>> -> memref<512x128xf32, #tpu.memory_space<hbm>>
      %dma_wait3A_18 = arith.constant 0 : i32
      %dma_wait3A_19 = tpu.memref_slice %arg4[%mul3A_2, %dma_wait3A_18] : memref<16384x128xf32, #tpu.memory_space<hbm>> -> memref<512x128xf32, #tpu.memory_space<hbm>>
      tpu.wait_dma2 semaphore(%run_scoped3A : memref<!tpu.dma_semaphore, #tpu.memory_space<semaphore_mem>>) src(%arg7 : memref<512x128xf32, #tpu.memory_space<vmem>>) dst(%dma_wait3A_19 : memref<512x128xf32, #tpu.memory_space<hbm>>)
      tpu.yield
    }) : () -> ()
    return
  }
}

module attributes {stable_mosaic.version = 14 : i64} {
  func.func @_xpose_body(%arg0: i32, %arg1: memref<64x8192xf32, #tpu.memory_space<vmem>>, %arg2: memref<64x8192xf32, #tpu.memory_space<vmem>>, %arg3: memref<64x8192xf32, #tpu.memory_space<vmem>>, %arg4: memref<64x8192xf32, #tpu.memory_space<vmem>>, %arg5: memref<8192x128xf32, #tpu.memory_space<vmem>>) attributes {dimension_semantics = [#tpu.dimension_semantics<arbitrary>], iteration_bounds = array<i64: 32>, scalar_prefetch = 0 : i64, scratch_operands = 0 : i64, tpu.core_type = #tpu.core_type<tc>, window_params = [{transform_indices = @transform_0, window_bounds = array<i64: 64, 8192>}, {transform_indices = @transform_1, window_bounds = array<i64: 64, 8192>}, {transform_indices = @transform_2, window_bounds = array<i64: 64, 8192>}, {transform_indices = @transform_3, window_bounds = array<i64: 64, 8192>}, {transform_indices = @transform_4, window_bounds = array<i64: 8192, 128>}]} {
    %iota3A = tpu.iota {dimensions = array<i32: 0>} : vector<64x64xi32>
    %iota3A_0 = tpu.iota {dimensions = array<i32: 1>} : vector<64x64xi32>
    %eq3A = arith.cmpi eq, %iota3A, %iota3A_0 : vector<64x64xi32>
    %convert_element_type3A = arith.extui %eq3A : vector<64x64xi1> to vector<64x64xi32>
    %convert_element_type3A_1 = arith.sitofp %convert_element_type3A : vector<64x64xi32> to vector<64x64xf32>
    %get3A = arith.constant 0 : index
    %get3A_2 = arith.constant 0 : index
    %get3A_3 = vector.load %arg1[%get3A, %get3A_2] : memref<64x8192xf32, #tpu.memory_space<vmem>>, vector<64x8192xf32>
    %dot_general3A = arith.constant dense<0.000000e+00> : vector<8192x64xf32>
    %dot_general3A_4 = tpu.matmul %get3A_3, %convert_element_type3A_1, %dot_general3A {dimension_numbers = #tpu.dot_dimension_numbers<[0], [0], [1], [1], [0, 1, 1, 1], [], []>, transpose_lhs_hint = false} : vector<64x8192xf32>, vector<64x64xf32>, vector<8192x64xf32> -> vector<8192x64xf32>
    %bitcast_convert_type3A = tpu.bitcast %dot_general3A_4 : vector<8192x64xf32> -> vector<8192x64xi32>
    %add3A = arith.constant 32767 : i32
    %add3A_5 = vector.broadcast %add3A : i32 to vector<8192x64xi32>
    %add3A_6 = arith.addi %bitcast_convert_type3A, %add3A_5 : vector<8192x64xi32>
    %shift_right_logical3A = arith.constant 16 : i32
    %shift_right_logical3A_7 = vector.broadcast %shift_right_logical3A : i32 to vector<8192x64xi32>
    %shift_right_logical3A_8 = arith.shrui %bitcast_convert_type3A, %shift_right_logical3A_7 : vector<8192x64xi32>
    %and3A = arith.constant 1 : i32
    %and3A_9 = vector.broadcast %and3A : i32 to vector<8192x64xi32>
    %and3A_10 = arith.andi %shift_right_logical3A_8, %and3A_9 : vector<8192x64xi32>
    %add3A_11 = arith.addi %add3A_6, %and3A_10 : vector<8192x64xi32>
    %shift_right_logical3A_12 = arith.constant 16 : i32
    %shift_right_logical3A_13 = vector.broadcast %shift_right_logical3A_12 : i32 to vector<8192x64xi32>
    %shift_right_logical3A_14 = arith.shrui %add3A_11, %shift_right_logical3A_13 : vector<8192x64xi32>
    %get3A_15 = arith.constant 0 : index
    %get3A_16 = arith.constant 0 : index
    %get3A_17 = vector.load %arg2[%get3A_15, %get3A_16] : memref<64x8192xf32, #tpu.memory_space<vmem>>, vector<64x8192xf32>
    %dot_general3A_18 = arith.constant dense<0.000000e+00> : vector<8192x64xf32>
    %dot_general3A_19 = tpu.matmul %get3A_17, %convert_element_type3A_1, %dot_general3A_18 {dimension_numbers = #tpu.dot_dimension_numbers<[0], [0], [1], [1], [0, 1, 1, 1], [], []>, transpose_lhs_hint = false} : vector<64x8192xf32>, vector<64x64xf32>, vector<8192x64xf32> -> vector<8192x64xf32>
    %bitcast_convert_type3A_20 = tpu.bitcast %dot_general3A_19 : vector<8192x64xf32> -> vector<8192x64xi32>
    %add3A_21 = arith.constant 32767 : i32
    %add3A_22 = vector.broadcast %add3A_21 : i32 to vector<8192x64xi32>
    %add3A_23 = arith.addi %bitcast_convert_type3A_20, %add3A_22 : vector<8192x64xi32>
    %shift_right_logical3A_24 = arith.constant 16 : i32
    %shift_right_logical3A_25 = vector.broadcast %shift_right_logical3A_24 : i32 to vector<8192x64xi32>
    %shift_right_logical3A_26 = arith.shrui %bitcast_convert_type3A_20, %shift_right_logical3A_25 : vector<8192x64xi32>
    %and3A_27 = arith.constant 1 : i32
    %and3A_28 = vector.broadcast %and3A_27 : i32 to vector<8192x64xi32>
    %and3A_29 = arith.andi %shift_right_logical3A_26, %and3A_28 : vector<8192x64xi32>
    %add3A_30 = arith.addi %add3A_23, %and3A_29 : vector<8192x64xi32>
    %shift_right_logical3A_31 = arith.constant 16 : i32
    %shift_right_logical3A_32 = vector.broadcast %shift_right_logical3A_31 : i32 to vector<8192x64xi32>
    %shift_right_logical3A_33 = arith.shrui %add3A_30, %shift_right_logical3A_32 : vector<8192x64xi32>
    %get3A_34 = arith.constant 0 : index
    %get3A_35 = arith.constant 0 : index
    %get3A_36 = vector.load %arg3[%get3A_34, %get3A_35] : memref<64x8192xf32, #tpu.memory_space<vmem>>, vector<64x8192xf32>
    %dot_general3A_37 = arith.constant dense<0.000000e+00> : vector<8192x64xf32>
    %dot_general3A_38 = tpu.matmul %get3A_36, %convert_element_type3A_1, %dot_general3A_37 {dimension_numbers = #tpu.dot_dimension_numbers<[0], [0], [1], [1], [0, 1, 1, 1], [], []>, transpose_lhs_hint = false} : vector<64x8192xf32>, vector<64x64xf32>, vector<8192x64xf32> -> vector<8192x64xf32>
    %bitcast_convert_type3A_39 = tpu.bitcast %dot_general3A_38 : vector<8192x64xf32> -> vector<8192x64xi32>
    %add3A_40 = arith.constant 32767 : i32
    %add3A_41 = vector.broadcast %add3A_40 : i32 to vector<8192x64xi32>
    %add3A_42 = arith.addi %bitcast_convert_type3A_39, %add3A_41 : vector<8192x64xi32>
    %shift_right_logical3A_43 = arith.constant 16 : i32
    %shift_right_logical3A_44 = vector.broadcast %shift_right_logical3A_43 : i32 to vector<8192x64xi32>
    %shift_right_logical3A_45 = arith.shrui %bitcast_convert_type3A_39, %shift_right_logical3A_44 : vector<8192x64xi32>
    %and3A_46 = arith.constant 1 : i32
    %and3A_47 = vector.broadcast %and3A_46 : i32 to vector<8192x64xi32>
    %and3A_48 = arith.andi %shift_right_logical3A_45, %and3A_47 : vector<8192x64xi32>
    %add3A_49 = arith.addi %add3A_42, %and3A_48 : vector<8192x64xi32>
    %shift_right_logical3A_50 = arith.constant 16 : i32
    %shift_right_logical3A_51 = vector.broadcast %shift_right_logical3A_50 : i32 to vector<8192x64xi32>
    %shift_right_logical3A_52 = arith.shrui %add3A_49, %shift_right_logical3A_51 : vector<8192x64xi32>
    %get3A_53 = arith.constant 0 : index
    %get3A_54 = arith.constant 0 : index
    %get3A_55 = vector.load %arg4[%get3A_53, %get3A_54] : memref<64x8192xf32, #tpu.memory_space<vmem>>, vector<64x8192xf32>
    %dot_general3A_56 = arith.constant dense<0.000000e+00> : vector<8192x64xf32>
    %dot_general3A_57 = tpu.matmul %get3A_55, %convert_element_type3A_1, %dot_general3A_56 {dimension_numbers = #tpu.dot_dimension_numbers<[0], [0], [1], [1], [0, 1, 1, 1], [], []>, transpose_lhs_hint = false} : vector<64x8192xf32>, vector<64x64xf32>, vector<8192x64xf32> -> vector<8192x64xf32>
    %bitcast_convert_type3A_58 = tpu.bitcast %dot_general3A_57 : vector<8192x64xf32> -> vector<8192x64xi32>
    %add3A_59 = arith.constant 32767 : i32
    %add3A_60 = vector.broadcast %add3A_59 : i32 to vector<8192x64xi32>
    %add3A_61 = arith.addi %bitcast_convert_type3A_58, %add3A_60 : vector<8192x64xi32>
    %shift_right_logical3A_62 = arith.constant 16 : i32
    %shift_right_logical3A_63 = vector.broadcast %shift_right_logical3A_62 : i32 to vector<8192x64xi32>
    %shift_right_logical3A_64 = arith.shrui %bitcast_convert_type3A_58, %shift_right_logical3A_63 : vector<8192x64xi32>
    %and3A_65 = arith.constant 1 : i32
    %and3A_66 = vector.broadcast %and3A_65 : i32 to vector<8192x64xi32>
    %and3A_67 = arith.andi %shift_right_logical3A_64, %and3A_66 : vector<8192x64xi32>
    %add3A_68 = arith.addi %add3A_61, %and3A_67 : vector<8192x64xi32>
    %shift_right_logical3A_69 = arith.constant 16 : i32
    %shift_right_logical3A_70 = vector.broadcast %shift_right_logical3A_69 : i32 to vector<8192x64xi32>
    %shift_right_logical3A_71 = arith.shrui %add3A_68, %shift_right_logical3A_70 : vector<8192x64xi32>
    %shift_left3A = arith.constant 16 : i32
    %shift_left3A_72 = vector.broadcast %shift_left3A : i32 to vector<8192x64xi32>
    %shift_left3A_73 = arith.shli %shift_right_logical3A_33, %shift_left3A_72 : vector<8192x64xi32>
    %or3A = arith.ori %shift_right_logical3A_14, %shift_left3A_73 : vector<8192x64xi32>
    %bitcast_convert_type3A_74 = tpu.bitcast %or3A : vector<8192x64xi32> -> vector<8192x64xf32>
    %shift_left3A_75 = arith.constant 16 : i32
    %shift_left3A_76 = vector.broadcast %shift_left3A_75 : i32 to vector<8192x64xi32>
    %shift_left3A_77 = arith.shli %shift_right_logical3A_71, %shift_left3A_76 : vector<8192x64xi32>
    %or3A_78 = arith.ori %shift_right_logical3A_52, %shift_left3A_77 : vector<8192x64xi32>
    %bitcast_convert_type3A_79 = tpu.bitcast %or3A_78 : vector<8192x64xi32> -> vector<8192x64xf32>
    %concatenate3A = tpu.concatenate %bitcast_convert_type3A_74, %bitcast_convert_type3A_79 in 1 : vector<8192x64xf32>, vector<8192x64xf32> -> vector<8192x128xf32>
    %swap3A = arith.constant 0 : index
    %swap3A_80 = arith.constant 0 : index
    %swap3A_81 = vector.load %arg5[%swap3A, %swap3A_80] : memref<8192x128xf32, #tpu.memory_space<vmem>>, vector<8192x128xf32>
    tpu.vector_store %arg5[%swap3A, %swap3A_80], %concatenate3A {strides = array<i32>} : memref<8192x128xf32, #tpu.memory_space<vmem>>, vector<8192x128xf32>,
    return
  }
  func.func @transform_0(%arg0: i32) -> (i32, i32) {
    %add3A = arith.constant 0 : i32
    %add3A_0 = arith.addi %add3A, %arg0 : i32
    %min3A = arith.constant 122 : i32
    %min3A_1 = arith.minsi %add3A_0, %min3A : i32
    %c0_i32 = arith.constant 0 : i32
    %c0_i32_2 = arith.constant 0 : i32
    return %c0_i32, %min3A_1 : i32, i32
  }
  func.func @transform_1(%arg0: i32) -> (i32, i32) {
    %add3A = arith.constant 32 : i32
    %add3A_0 = arith.addi %add3A, %arg0 : i32
    %min3A = arith.constant 122 : i32
    %min3A_1 = arith.minsi %add3A_0, %min3A : i32
    %c0_i32 = arith.constant 0 : i32
    %c0_i32_2 = arith.constant 0 : i32
    return %c0_i32, %min3A_1 : i32, i32
  }
  func.func @transform_2(%arg0: i32) -> (i32, i32) {
    %add3A = arith.constant 64 : i32
    %add3A_0 = arith.addi %add3A, %arg0 : i32
    %min3A = arith.constant 122 : i32
    %min3A_1 = arith.minsi %add3A_0, %min3A : i32
    %c0_i32 = arith.constant 0 : i32
    %c0_i32_2 = arith.constant 0 : i32
    return %c0_i32, %min3A_1 : i32, i32
  }
  func.func @transform_3(%arg0: i32) -> (i32, i32) {
    %add3A = arith.constant 96 : i32
    %add3A_0 = arith.addi %add3A, %arg0 : i32
    %min3A = arith.constant 122 : i32
    %min3A_1 = arith.minsi %add3A_0, %min3A : i32
    %c0_i32 = arith.constant 0 : i32
    %c0_i32_2 = arith.constant 0 : i32
    return %c0_i32, %min3A_1 : i32, i32
  }
  func.func @transform_4(%arg0: i32) -> (i32, i32) {
    %c0_i32 = arith.constant 0 : i32
    %c0_i32_0 = arith.constant 0 : i32
    return %arg0, %c0_i32 : i32, i32
  }
}

module attributes {stable_mosaic.version = 14 : i64} {
  func.func @_mlp_body(%arg0: i32, %arg1: memref<2048x128xf32, #tpu.memory_space<vmem>>, %arg2: memref<2048xi32, #tpu.memory_space<vmem>>, %arg3: memref<2048x16xf32, #tpu.memory_space<vmem>>, %arg4: memref<80x128xf32, #tpu.memory_space<vmem>>, %arg5: memref<128xf32, #tpu.memory_space<vmem>>, %arg6: memref<128xf32, #tpu.memory_space<vmem>>, %arg7: memref<128xf32, #tpu.memory_space<vmem>>, %arg8: memref<128x64xf32, #tpu.memory_space<vmem>>, %arg9: memref<64xf32, #tpu.memory_space<vmem>>, %arg10: memref<64xf32, #tpu.memory_space<vmem>>, %arg11: memref<64xf32, #tpu.memory_space<vmem>>, %arg12: memref<64x64xf32, #tpu.memory_space<vmem>>, %arg13: memref<64xf32, #tpu.memory_space<vmem>>, %arg14: memref<64x2048xf32, #tpu.memory_space<vmem>>) attributes {dimension_semantics = [#tpu.dimension_semantics<arbitrary>], iteration_bounds = array<i64: 8>, scalar_prefetch = 0 : i64, scratch_operands = 0 : i64, tpu.core_type = #tpu.core_type<tc>, window_params = [{transform_indices = @transform_0, window_bounds = array<i64: 2048, 128>}, {transform_indices = @transform_1, window_bounds = array<i64: 2048>}, {transform_indices = @transform_2, window_bounds = array<i64: 2048, 16>}, {pipeline_mode = #tpu.pipeline_mode<synchronous>, transform_indices = @transform_3, window_bounds = array<i64: 80, 128>}, {pipeline_mode = #tpu.pipeline_mode<synchronous>, transform_indices = @transform_4, window_bounds = array<i64: 128>}, {pipeline_mode = #tpu.pipeline_mode<synchronous>, transform_indices = @transform_5, window_bounds = array<i64: 128>}, {pipeline_mode = #tpu.pipeline_mode<synchronous>, transform_indices = @transform_6, window_bounds = array<i64: 128>}, {pipeline_mode = #tpu.pipeline_mode<synchronous>, transform_indices = @transform_7, window_bounds = array<i64: 128, 64>}, {pipeline_mode = #tpu.pipeline_mode<synchronous>, transform_indices = @transform_8, window_bounds = array<i64: 64>}, {pipeline_mode = #tpu.pipeline_mode<synchronous>, transform_indices = @transform_9, window_bounds = array<i64: 64>}, {pipeline_mode = #tpu.pipeline_mode<synchronous>, transform_indices = @transform_10, window_bounds = array<i64: 64>}, {pipeline_mode = #tpu.pipeline_mode<synchronous>, transform_indices = @transform_11, window_bounds = array<i64: 64, 64>}, {pipeline_mode = #tpu.pipeline_mode<synchronous>, transform_indices = @transform_12, window_bounds = array<i64: 64>}, {transform_indices = @transform_13, window_bounds = array<i64: 64, 2048>}]} {
    %rsqrt3A = arith.constant 1.001000e+00 : f32
    %rsqrt3A_0 = math.rsqrt %rsqrt3A : f32
    %get3A = arith.constant 0 : index
    %get3A_1 = arith.constant 0 : index
    %get3A_2 = vector.load %arg1[%get3A, %get3A_1] : memref<2048x128xf32, #tpu.memory_space<vmem>>, vector<2048x128xf32>
    %get3A_3 = arith.constant 0 : index
    %get3A_4 = vector.load %arg2[%get3A_3] : memref<2048xi32, #tpu.memory_space<vmem>>, vector<2048xi32>
    %broadcast_in_dim3A = vector.shape_cast %get3A_4 : vector<2048xi32> to vector<2048x1xi32>
    %shift_right_arithmetic3A = arith.constant 18 : i32
    %shift_right_arithmetic3A_5 = vector.broadcast %shift_right_arithmetic3A : i32 to vector<2048x1xi32>
    %shift_right_arithmetic3A_6 = arith.shrsi %broadcast_in_dim3A, %shift_right_arithmetic3A_5 : vector<2048x1xi32>
    %slice3A = vector.extract_strided_slice %get3A_2 {offsets = [0, 0], sizes = [2048, 64], strides = [1, 1]} : vector<2048x128xf32> to vector<2048x64xf32>
    %bitcast_convert_type3A = tpu.bitcast %slice3A : vector<2048x64xf32> -> vector<2048x64xi32>
    %slice3A_7 = vector.extract_strided_slice %get3A_2 {offsets = [0, 64], sizes = [2048, 64], strides = [1, 1]} : vector<2048x128xf32> to vector<2048x64xf32>
    %bitcast_convert_type3A_8 = tpu.bitcast %slice3A_7 : vector<2048x64xf32> -> vector<2048x64xi32>
    %and3A = arith.constant 1 : i32
    %and3A_9 = vector.broadcast %and3A : i32 to vector<2048x1xi32>
    %and3A_10 = arith.andi %shift_right_arithmetic3A_6, %and3A_9 : vector<2048x1xi32>
    %eq3A = arith.constant 1 : i32
    %eq3A_11 = vector.broadcast %eq3A : i32 to vector<2048x1xi32>
    %eq3A_12 = arith.cmpi eq, %and3A_10, %eq3A_11 : vector<2048x1xi32>
    %shift_right_logical3A = arith.constant 16 : i32
    %shift_right_logical3A_13 = vector.broadcast %shift_right_logical3A : i32 to vector<2048x64xi32>
    %shift_right_logical3A_14 = arith.shrui %bitcast_convert_type3A, %shift_right_logical3A_13 : vector<2048x64xi32>
    %and3A_15 = arith.constant 65535 : i32
    %and3A_16 = vector.broadcast %and3A_15 : i32 to vector<2048x64xi32>
    %and3A_17 = arith.andi %bitcast_convert_type3A, %and3A_16 : vector<2048x64xi32>
    %broadcast_in_dim3A_18 = vector.shape_cast %eq3A_12 : vector<2048x1xi1> to vector<2048x1xi1>
    %broadcast_in_dim3A_19 = vector.broadcast %broadcast_in_dim3A_18 : vector<2048x1xi1> to vector<2048x64xi1>
    %select_n3A = arith.select %broadcast_in_dim3A_19, %shift_right_logical3A_14, %and3A_17 : vector<2048x64xi1>, vector<2048x64xi32>
    %shift_right_logical3A_20 = arith.constant 16 : i32
    %shift_right_logical3A_21 = vector.broadcast %shift_right_logical3A_20 : i32 to vector<2048x64xi32>
    %shift_right_logical3A_22 = arith.shrui %bitcast_convert_type3A_8, %shift_right_logical3A_21 : vector<2048x64xi32>
    %and3A_23 = arith.constant 65535 : i32
    %and3A_24 = vector.broadcast %and3A_23 : i32 to vector<2048x64xi32>
    %and3A_25 = arith.andi %bitcast_convert_type3A_8, %and3A_24 : vector<2048x64xi32>
    %broadcast_in_dim3A_26 = vector.shape_cast %eq3A_12 : vector<2048x1xi1> to vector<2048x1xi1>
    %broadcast_in_dim3A_27 = vector.broadcast %broadcast_in_dim3A_26 : vector<2048x1xi1> to vector<2048x64xi1>
    %select_n3A_28 = arith.select %broadcast_in_dim3A_27, %shift_right_logical3A_22, %and3A_25 : vector<2048x64xi1>, vector<2048x64xi32>
    %ge3A = arith.constant 2 : i32
    %ge3A_29 = vector.broadcast %ge3A : i32 to vector<2048x1xi32>
    %ge3A_30 = arith.cmpi sge, %shift_right_arithmetic3A_6, %ge3A_29 : vector<2048x1xi32>
    %broadcast_in_dim3A_31 = vector.shape_cast %ge3A_30 : vector<2048x1xi1> to vector<2048x1xi1>
    %broadcast_in_dim3A_32 = vector.broadcast %broadcast_in_dim3A_31 : vector<2048x1xi1> to vector<2048x64xi1>
    %select_n3A_33 = arith.select %broadcast_in_dim3A_32, %select_n3A_28, %select_n3A : vector<2048x64xi1>, vector<2048x64xi32>
    %shift_left3A = arith.constant 16 : i32
    %shift_left3A_34 = vector.broadcast %shift_left3A : i32 to vector<2048x64xi32>
    %shift_left3A_35 = arith.shli %select_n3A_33, %shift_left3A_34 : vector<2048x64xi32>
    %bitcast_convert_type3A_36 = tpu.bitcast %shift_left3A_35 : vector<2048x64xi32> -> vector<2048x64xf32>
    %get3A_37 = arith.constant 0 : index
    %get3A_38 = arith.constant 0 : index
    %get3A_39 = vector.load %arg4[%get3A_37, %get3A_38] : memref<80x128xf32, #tpu.memory_space<vmem>>, vector<80x128xf32>
    %slice3A_40 = vector.extract_strided_slice %get3A_39 {offsets = [0, 0], sizes = [64, 128], strides = [1, 1]} : vector<80x128xf32> to vector<64x128xf32>
    %dot_general3A = arith.constant dense<0.000000e+00> : vector<2048x128xf32>
    %dot_general3A_41 = tpu.matmul %bitcast_convert_type3A_36, %slice3A_40, %dot_general3A {dimension_numbers = #tpu.dot_dimension_numbers<[1], [0], [0], [1], [0, 0, 1, 1], [], []>, transpose_lhs_hint = false} : vector<2048x64xf32>, vector<64x128xf32>, vector<2048x128xf32> -> vector<2048x128xf32>
    %get3A_42 = arith.constant 0 : index
    %get3A_43 = arith.constant 0 : index
    %get3A_44 = vector.load %arg3[%get3A_42, %get3A_43] : memref<2048x16xf32, #tpu.memory_space<vmem>>, vector<2048x16xf32>
    %slice3A_45 = vector.extract_strided_slice %get3A_39 {offsets = [64, 0], sizes = [16, 128], strides = [1, 1]} : vector<80x128xf32> to vector<16x128xf32>
    %dot_general3A_46 = arith.constant dense<0.000000e+00> : vector<2048x128xf32>
    %dot_general3A_47 = tpu.matmul %get3A_44, %slice3A_45, %dot_general3A_46 {dimension_numbers = #tpu.dot_dimension_numbers<[1], [0], [0], [1], [0, 0, 1, 1], [], []>, transpose_lhs_hint = false} : vector<2048x16xf32>, vector<16x128xf32>, vector<2048x128xf32> -> vector<2048x128xf32>
    %add3A = arith.addf %dot_general3A_41, %dot_general3A_47 : vector<2048x128xf32>
    %get3A_48 = arith.constant 0 : index
    %get3A_49 = vector.load %arg5[%get3A_48] : memref<128xf32, #tpu.memory_space<vmem>>, vector<128xf32>
    %broadcast_in_dim3A_50 = vector.shape_cast %get3A_49 : vector<128xf32> to vector<1x128xf32>
    %add3A_51 = vector.broadcast %broadcast_in_dim3A_50 : vector<1x128xf32> to vector<2048x128xf32>
    %add3A_52 = arith.addf %add3A, %add3A_51 : vector<2048x128xf32>
    %max3A = arith.constant 0.000000e+00 : f32
    %max3A_53 = vector.broadcast %max3A : f32 to vector<2048x128xf32>
    %max3A_54 = arith.maximumf %add3A_52, %max3A_53 : vector<2048x128xf32>
    %get3A_55 = arith.constant 0 : index
    %get3A_56 = vector.load %arg6[%get3A_55] : memref<128xf32, #tpu.memory_space<vmem>>, vector<128xf32>
    %mul3A = vector.broadcast %rsqrt3A_0 : f32 to vector<128xf32>
    %mul3A_57 = arith.mulf %mul3A, %get3A_56 : vector<128xf32>
    %broadcast_in_dim3A_58 = vector.shape_cast %mul3A_57 : vector<128xf32> to vector<1x128xf32>
    %mul3A_59 = vector.broadcast %broadcast_in_dim3A_58 : vector<1x128xf32> to vector<2048x128xf32>
    %mul3A_60 = arith.mulf %max3A_54, %mul3A_59 : vector<2048x128xf32>
    %get3A_61 = arith.constant 0 : index
    %get3A_62 = vector.load %arg7[%get3A_61] : memref<128xf32, #tpu.memory_space<vmem>>, vector<128xf32>
    %broadcast_in_dim3A_63 = vector.shape_cast %get3A_62 : vector<128xf32> to vector<1x128xf32>
    %add3A_64 = vector.broadcast %broadcast_in_dim3A_63 : vector<1x128xf32> to vector<2048x128xf32>
    %add3A_65 = arith.addf %mul3A_60, %add3A_64 : vector<2048x128xf32>
    %get3A_66 = arith.constant 0 : index
    %get3A_67 = arith.constant 0 : index
    %get3A_68 = vector.load %arg8[%get3A_66, %get3A_67] : memref<128x64xf32, #tpu.memory_space<vmem>>, vector<128x64xf32>
    %dot_general3A_69 = arith.constant dense<0.000000e+00> : vector<2048x64xf32>
    %dot_general3A_70 = tpu.matmul %add3A_65, %get3A_68, %dot_general3A_69 {dimension_numbers = #tpu.dot_dimension_numbers<[1], [0], [0], [1], [0, 0, 1, 1], [], []>, transpose_lhs_hint = false} : vector<2048x128xf32>, vector<128x64xf32>, vector<2048x64xf32> -> vector<2048x64xf32>
    %get3A_71 = arith.constant 0 : index
    %get3A_72 = vector.load %arg9[%get3A_71] : memref<64xf32, #tpu.memory_space<vmem>>, vector<64xf32>
    %broadcast_in_dim3A_73 = vector.shape_cast %get3A_72 : vector<64xf32> to vector<1x64xf32>
    %add3A_74 = vector.broadcast %broadcast_in_dim3A_73 : vector<1x64xf32> to vector<2048x64xf32>
    %add3A_75 = arith.addf %dot_general3A_70, %add3A_74 : vector<2048x64xf32>
    %max3A_76 = arith.constant 0.000000e+00 : f32
    %max3A_77 = vector.broadcast %max3A_76 : f32 to vector<2048x64xf32>
    %max3A_78 = arith.maximumf %add3A_75, %max3A_77 : vector<2048x64xf32>
    %get3A_79 = arith.constant 0 : index
    %get3A_80 = vector.load %arg10[%get3A_79] : memref<64xf32, #tpu.memory_space<vmem>>, vector<64xf32>
    %mul3A_81 = vector.broadcast %rsqrt3A_0 : f32 to vector<64xf32>
    %mul3A_82 = arith.mulf %mul3A_81, %get3A_80 : vector<64xf32>
    %broadcast_in_dim3A_83 = vector.shape_cast %mul3A_82 : vector<64xf32> to vector<1x64xf32>
    %mul3A_84 = vector.broadcast %broadcast_in_dim3A_83 : vector<1x64xf32> to vector<2048x64xf32>
    %mul3A_85 = arith.mulf %max3A_78, %mul3A_84 : vector<2048x64xf32>
    %get3A_86 = arith.constant 0 : index
    %get3A_87 = vector.load %arg11[%get3A_86] : memref<64xf32, #tpu.memory_space<vmem>>, vector<64xf32>
    %broadcast_in_dim3A_88 = vector.shape_cast %get3A_87 : vector<64xf32> to vector<1x64xf32>
    %add3A_89 = vector.broadcast %broadcast_in_dim3A_88 : vector<1x64xf32> to vector<2048x64xf32>
    %add3A_90 = arith.addf %mul3A_85, %add3A_89 : vector<2048x64xf32>
    %get3A_91 = arith.constant 0 : index
    %get3A_92 = arith.constant 0 : index
    %get3A_93 = vector.load %arg12[%get3A_91, %get3A_92] : memref<64x64xf32, #tpu.memory_space<vmem>>, vector<64x64xf32>
    %dot_general3A_94 = arith.constant dense<0.000000e+00> : vector<2048x64xf32>
    %dot_general3A_95 = tpu.matmul %add3A_90, %get3A_93, %dot_general3A_94 {dimension_numbers = #tpu.dot_dimension_numbers<[1], [0], [0], [1], [0, 0, 1, 1], [], []>, transpose_lhs_hint = false} : vector<2048x64xf32>, vector<64x64xf32>, vector<2048x64xf32> -> vector<2048x64xf32>
    %get3A_96 = arith.constant 0 : index
    %get3A_97 = vector.load %arg13[%get3A_96] : memref<64xf32, #tpu.memory_space<vmem>>, vector<64xf32>
    %broadcast_in_dim3A_98 = vector.shape_cast %get3A_97 : vector<64xf32> to vector<1x64xf32>
    %add3A_99 = vector.broadcast %broadcast_in_dim3A_98 : vector<1x64xf32> to vector<2048x64xf32>
    %add3A_100 = arith.addf %dot_general3A_95, %add3A_99 : vector<2048x64xf32>
    %mul3A_101 = arith.mulf %add3A_100, %add3A_100 : vector<2048x64xf32>
    %reduce_sum3A = arith.constant dense<0.000000e+00> : vector<2048xf32>
    %reduce_sum3A_102 = vector.multi_reduction <add>, %mul3A_101, %reduce_sum3A [1] : vector<2048x64xf32> to vector<2048xf32>
    %broadcast_in_dim3A_103 = vector.shape_cast %reduce_sum3A_102 : vector<2048xf32> to vector<2048x1xf32>
    %max3A_104 = arith.constant 9.99999996E-13 : f32
    %max3A_105 = vector.broadcast %max3A_104 : f32 to vector<2048x1xf32>
    %max3A_106 = arith.maximumf %broadcast_in_dim3A_103, %max3A_105 : vector<2048x1xf32>
    %rsqrt3A_107 = math.rsqrt %max3A_106 : vector<2048x1xf32>
    %mul3A_108 = vector.broadcast %rsqrt3A_107 : vector<2048x1xf32> to vector<2048x64xf32>
    %mul3A_109 = arith.mulf %add3A_100, %mul3A_108 : vector<2048x64xf32>
    %transpose3A = tpu.transpose %mul3A_109, [1, 0] : vector<2048x64xf32> -> vector<64x2048xf32>
    %swap3A = arith.constant 0 : index
    %swap3A_110 = arith.constant 0 : index
    %swap3A_111 = vector.load %arg14[%swap3A, %swap3A_110] : memref<64x2048xf32, #tpu.memory_space<vmem>>, vector<64x2048xf32>
    tpu.vector_store %arg14[%swap3A, %swap3A_110], %transpose3A {strides = array<i32>} : memref<64x2048xf32, #tpu.memory_space<vmem>>, vector<64x2048xf32>,
    return
  }
  func.func @transform_0(%arg0: i32) -> (i32, i32) {
    %c0_i32 = arith.constant 0 : i32
    %c0_i32_0 = arith.constant 0 : i32
    return %arg0, %c0_i32 : i32, i32
  }
  func.func @transform_1(%arg0: i32) -> i32 {
    %c0_i32 = arith.constant 0 : i32
    return %arg0 : i32
  }
  func.func @transform_2(%arg0: i32) -> (i32, i32) {
    %c0_i32 = arith.constant 0 : i32
    %c0_i32_0 = arith.constant 0 : i32
    return %arg0, %c0_i32 : i32, i32
  }
  func.func @transform_3(%arg0: i32) -> (i32, i32) {
    %c0_i32 = arith.constant 0 : i32
    %c0_i32_0 = arith.constant 0 : i32
    %c0_i32_1 = arith.constant 0 : i32
    return %c0_i32, %c0_i32_0 : i32, i32
  }
  func.func @transform_4(%arg0: i32) -> i32 {
    %c0_i32 = arith.constant 0 : i32
    %c0_i32_0 = arith.constant 0 : i32
    return %c0_i32 : i32
  }
  func.func @transform_5(%arg0: i32) -> i32 {
    %c0_i32 = arith.constant 0 : i32
    %c0_i32_0 = arith.constant 0 : i32
    return %c0_i32 : i32
  }
  func.func @transform_6(%arg0: i32) -> i32 {
    %c0_i32 = arith.constant 0 : i32
    %c0_i32_0 = arith.constant 0 : i32
    return %c0_i32 : i32
  }
  func.func @transform_7(%arg0: i32) -> (i32, i32) {
    %c0_i32 = arith.constant 0 : i32
    %c0_i32_0 = arith.constant 0 : i32
    %c0_i32_1 = arith.constant 0 : i32
    return %c0_i32, %c0_i32_0 : i32, i32
  }
  func.func @transform_8(%arg0: i32) -> i32 {
    %c0_i32 = arith.constant 0 : i32
    %c0_i32_0 = arith.constant 0 : i32
    return %c0_i32 : i32
  }
  func.func @transform_9(%arg0: i32) -> i32 {
    %c0_i32 = arith.constant 0 : i32
    %c0_i32_0 = arith.constant 0 : i32
    return %c0_i32 : i32
  }
  func.func @transform_10(%arg0: i32) -> i32 {
    %c0_i32 = arith.constant 0 : i32
    %c0_i32_0 = arith.constant 0 : i32
    return %c0_i32 : i32
  }
  func.func @transform_11(%arg0: i32) -> (i32, i32) {
    %c0_i32 = arith.constant 0 : i32
    %c0_i32_0 = arith.constant 0 : i32
    %c0_i32_1 = arith.constant 0 : i32
    return %c0_i32, %c0_i32_0 : i32, i32
  }
  func.func @transform_12(%arg0: i32) -> i32 {
    %c0_i32 = arith.constant 0 : i32
    %c0_i32_0 = arith.constant 0 : i32
    return %c0_i32 : i32
  }
  func.func @transform_13(%arg0: i32) -> (i32, i32) {
    %c0_i32 = arith.constant 0 : i32
    %c0_i32_0 = arith.constant 0 : i32
    return %c0_i32, %arg0 : i32, i32
  }
}

</mosaic_0001>

<sc_bundles>
// kernel: kernel.5.cloned.1.call-start
scs
__scs_entry_jumppad:
0x0: {  	(pc) =	sbr.rel $0x88, $3  }
0x1: {  	(tag) =	ssettag $0x0;
	lr =	simm.s32 $0x1  }
0x2: {  	[smem:$0x3F94] =	sst lr;
	_ =	strace $0xD0000000  }
0x3: {  	_ = 	snop  }
0x4: {  	_ = 	snop  }
0x5: {  	_ = 	snop  }
0x6: {  	_ = 	snop  }
0x7: {  	_ = 	snop  }
__scs_overlays_trampoline_lowered:
0x8: {  	[smem:$0x3FA3] =	sst s0  }
0x9: {  	[smem:$0x3FA4] =	sst s1  }
0xa: {  	[smem:$0x3FA5] =	sst s2  }
0xb: {  	[smem:$0x3FA6] =	sst s3  }
0xc: {  	[smem:$0x3FA7] =	sst s4  }
0xd: {  	[smem:$0x3FA8] =	sst s5  }
0xe: {  	[smem:$0x3FA9] =	sst s6  }
0xf: {  	[smem:$0x3FAA] =	sst s7  }
0x10: {  	[smem:$0x3FAB] =	sst s8  }
0x11: {  	[smem:$0x3FAC] =	sst s9;
	s0 =	simm.s32 @!p0 $0x0  }
0x12: {  	s1 =	sld [smem:$0x3F92];
	s0 =	simm.s32 @p0 $0x1  }
0x13: {  	[smem:$0x3FAD] =	sst s0;
	s0 =	simm.s32 @!p1 $0x0  }
0x14: {  	s2 =	sld [smem:$0x3F91];
	s0 =	simm.s32 @p1 $0x1  }
0x15: {  	[smem:$0x3FAE] =	sst s0;
	s0 =	simm.s32 @!p2 $0x0  }
0x16: {  	s3 =	sld [smem:$0x3FDB];
	s0 =	simm.s32 @p2 $0x1  }
0x17: {  	s4 =	simm.s32 $0x1BF5;
	[smem:$0x3FB0] =	sst s0  }
0x18: {  	s0 =	sld [smem:$0x3F93];
	_ =	swait.ge [sflag:s4], $0x0  }
0x19: {  	s7 =	sld [smem:$0x3F94]  }
0x1a: {  	s8 =	sadd.s32 $0xFFFFE003, lr  }
0x1b: {  	s9 =	sadd.s32 $0xFFFFFEF7, lr;
	s5 =	simm.s32 $0xFFFFFFFF;
	p2 =	slt.u32 s8, $0xFFFFF086  }
0x1c: {  	p1 =	slt.u32 s9, $0xF7A;
	s5 =	simm.s32 @!p2 $0x0  }
0x1d: {  	s5 =	simm.s32 @p1 $0x1;
	p0 =	seq.s32 s7, s2  }
0x1e: {  	s7 =	smul.u32 @!p0 $0xF7A, s2;
	p2 =	seq.s32 @!p0 s5, $0x0  }
0x1f: {  	s9 =	smul.u32 $0xF7A, s1;
	s8 =	simm.s32 @!p0 $0x1BF5;
	p2 =	por !p2, p0  }
0x20: {  	[sflag:s8] =	ssyncset.s32 @!p0 $0xFFFFF086;
	s6 =	sadd.s32 @!p0 s3, s7;
	s7 =	simm.s32 @!p0 $0x108  }
0x21: {  	s3 =	sadd.s32 s3, s9;
	s6 =	sadd.s32 @!p0 $0x88, s6;
	s7 =	simm.s32 @p2 $0x1082  }
0x22: {  	[simem:s7], [sflag:s8] =	dma.local @!p0 [hbm:s6], $0xF7A  }
0x23: {  	s9 =	sor.u32 $0xD0000000, s2;
	s6 =	simm.s32 $0x108;
	_ =	swait.ge @!p0 [sflag:s8], $0x0  }
0x24: {  	s3 =	sadd.s32 $0x88, s3;
	s6 =	simm.s32 @!p1 $0x1082;
	[sflag:s4] =	ssyncset.s32 $0xFFFFF086  }
0x25: {  	[simem:s6], [sflag:s4] =	dma.local [hbm:s3], $0xF7A  }
0x26: {  	[smem:$0x3F94] =	sst s1;
	(tag) =	ssettag s2;
	_ =	strace s9  }
0x27: {  	s1 =	sld [smem:$0x3FA4]  }
0x28: {  	s2 =	sld [smem:$0x3FA5]  }
0x29: {  	s4 =	sld [smem:$0x3FA7]  }
0x2a: {  	p0 =	seq.s32 s5, $0x0;
	s5 =	sld [smem:$0x3FA8]  }
0x2b: {  	s6 =	sld [smem:$0x3FA9]  }
0x2c: {  	s7 =	sld [smem:$0x3FAA]  }
0x2d: {  	s3 =	simm.s32 $0x108;
	s8 =	sld [smem:$0x3FAB]  }
0x2e: {  	s3 =	simm.s32 @!p0 $0x1082;
	s9 =	sld [smem:$0x3FAC]  }
0x2f: {  	lr =	sadd.s32 s0, s3;
	s0 =	sld [smem:$0x3FA3]  }
0x30: {  	s3 =	sld [smem:$0x3FA6]  }
0x31: {  	[smem:$0x3FAF] =	sst s10  }
0x32: {  	s10 =	sld [smem:$0x3FAD];
	_ =	sdelay $0x3  }
0x33: {  	p0 =	seq.s32 s10, $0x1;
	s10 =	sld [smem:$0x3FAF];
	_ =	sdelay $0x3  }
0x34: {  	[smem:$0x3FAF] =	sst s10  }
0x35: {  	s10 =	sld [smem:$0x3FAE];
	_ =	sdelay $0x3  }
0x36: {  	p1 =	seq.s32 s10, $0x1;
	s10 =	sld [smem:$0x3FAF];
	_ =	sdelay $0x3  }
0x37: {  	[smem:$0x3FAF] =	sst s10  }
0x38: {  	s10 =	sld [smem:$0x3FB0]  }
0x39: {  	_ = 	snop;
	(pc) =	sbr.ind lr, $3  }
0x3a: {  	_ = 	snop  }
0x3b: {  	_ = 	snop  }
0x3c: {  	p2 =	seq.s32 s10, $0x1;
	s10 =	sld [smem:$0x3FAF]  }
0x3d: {  	_ =	shalt  }
0x3e: {  	_ =	shalt  }
0x3f: {  	_ =	shalt  }
0x40: {  	_ =	shalt  }
0x41: {  	_ =	shalt  }
0x42: {  	_ =	shalt  }
0x43: {  	_ =	shalt  }
0x44: {  	_ =	shalt  }
0x45: {  	_ =	shalt  }
0x46: {  	_ =	shalt  }
0x47: {  	_ =	shalt  }
0x48: {  	_ =	shalt  }
0x49: {  	_ =	shalt  }
0x4a: {  	_ =	shalt  }
0x4b: {  	_ =	shalt  }
0x4c: {  	_ =	shalt  }
0x4d: {  	_ =	shalt  }
0x4e: {  	_ =	shalt  }
0x4f: {  	_ =	shalt  }
0x50: {  	_ =	shalt  }
0x51: {  	_ =	shalt  }
0x52: {  	_ =	shalt  }
0x53: {  	_ =	shalt  }
0x54: {  	_ =	shalt  }
0x55: {  	_ =	shalt  }
0x56: {  	_ =	shalt  }
0x57: {  	_ =	shalt  }
0x58: {  	_ =	shalt  }
0x59: {  	_ =	shalt  }
0x5a: {  	_ =	shalt  }
0x5b: {  	_ =	shalt  }
0x5c: {  	_ =	shalt  }
0x5d: {  	_ =	shalt  }
0x5e: {  	_ =	shalt  }
0x5f: {  	_ =	shalt  }
0x60: {  	_ =	shalt  }
0x61: {  	_ =	shalt  }
0x62: {  	_ =	shalt  }
0x63: {  	_ =	shalt  }
0x64: {  	_ =	shalt  }
0x65: {  	_ =	shalt  }
0x66: {  	_ =	shalt  }
0x67: {  	_ =	shalt  }
0x68: {  	_ =	shalt  }
0x69: {  	_ =	shalt  }
0x6a: {  	_ =	shalt  }
0x6b: {  	_ =	shalt  }
0x6c: {  	_ =	shalt  }
0x6d: {  	_ =	shalt  }
0x6e: {  	_ =	shalt  }
0x6f: {  	_ =	shalt  }
0x70: {  	_ =	shalt  }
0x71: {  	_ =	shalt  }
0x72: {  	_ =	shalt  }
0x73: {  	_ =	shalt  }
0x74: {  	_ =	shalt  }
0x75: {  	_ =	shalt  }
0x76: {  	_ =	shalt  }
0x77: {  	_ =	shalt  }
0x78: {  	_ =	shalt  }
0x79: {  	_ =	shalt  }
0x7a: {  	_ =	shalt  }
0x7b: {  	_ =	shalt  }
0x7c: {  	_ =	shalt  }
0x7d: {  	_ =	shalt  }
0x7e: {  	_ =	shalt  }
0x7f: {  	_ =	shalt  }
0x80: {  	_ =	shalt  }
0x81: {  	_ =	shalt  }
0x82: {  	_ =	shalt  }
0x83: {  	_ =	shalt  }
0x84: {  	_ =	shalt  }
0x85: {  	_ =	shalt  }
0x86: {  	_ =	shalt  }
0x87: {  	_ =	shalt  }
.Lfunc_end0:
.L_simem_size_0:
called_computation_lowered:
.L_overlay_start_0:
0x88: {  	s2 =	sld [smem:$0x3FD9]  }
0x89: {  	s3 =	sld [smem:$0x3FFE];
	_ =	sdelay $0x1  }
0x8a: {  	s1 =	srdreg.scid  }
0x8b: {  	s0 =	sand.u32 $0x1, s1  }
0x8c: {  	s17 =	sshll.u32 s0, $0xA;
	s2 =	sadd.s32 s3, s2  }
0x8d: {  	s2 =	sadd.s32 s2, s17  }
0x8e: {  	[smem:$0x3FBB] =	sst s2  }
0x8f: {  	_ = 	snop  }
0x90: {  	s2 =	sld [smem:$0x3FC9];
	(tm) =	ssettm $0x1  }
0x91: {  	s18 =	sld [smem:$0x3FFB];
	_ =	sdelay $0x3  }
0x92: {  	_ =	strace s18  }
0x93: {  	s3 =	sld [smem:$0x3FFC];
	_ =	sdelay $0x3  }
0x94: {  	_ =	strace s3  }
0x95: {  	s3 =	sld [smem:$0x3FFD];
	_ =	sdelay $0x3  }
0x96: {  	_ =	strace s3  }
0x97: {  	_ =	strace $0x8FFFFFFF  }
0x98: {  	s19 =	sld [smem:$0x3FDB];
	_ =	sdelay $0x1  }
0x99: {  	s4 =	simm.s32 $_scs_section_size  }
0x9a: {  	s5 =	simm.s32 $_size__tile_overlayer_lowered;
	s6 =	simm.s32 $_tile_overlayer_lowered  }
0x9b: {  	s22 =	simm.s32 $0x1BFF;
	s21 =	sshll.u32 s6, $0x1;
	s3 =	sadd.s32 s4, s19  }
0x9c: {  	s7 =	simm.s32 $0x0;
	s20 =	sshll.u32 s5, $0x1;
	s5 =	sadd.s32 s21, s3  }
0x9d: {  	[timem:s7], [sflag:s22] =	dma.local [hbm:s5], s20  }
0x9e: {  	_ =	swait.ge [sflag:s22], s20  }
0x9f: {  	s4 =	ssub.s32 $0x0, s20;
	[sflag:s22] =	ssyncset.done $0x0  }
0xa0: {  	[sflag:s22] =	ssyncadd.s32 s4;
	_ =	sdelay $0x1  }
0xa1: {  	s23 =	simm.s32 $0x1B8B  }
0xa2: {  	_ =	swait.ge [sflag:s23], $0x1  }
0xa3: {  	[sflag:s23] =	ssyncset.done $0x0  }
0xa4: {  	s25 =	simm.s32 $0x1B8E;
	s24 =	sld [smem:$0x3FFE];
	[sflag:s23] =	ssyncadd.s32 $0xFFFFFFFF  }
0xa5: {  	s26 =	simm.s32 $execute0_lowered;
	[smem:$0x3FD2] =	sst s25  }
0xa6: {  	s5 =	sshll.u32 s26, $0x1;
	_ =	strace $0x80000046;
	[dreg:$0x1] =	wrdreg $0xFFFFFFFF  }
0xa7: {  	s28 =	simm.s32 $_size_execute0_lowered;
	s3 =	sadd.s32 s3, s5;
	[dreg:$0x0] =	wrdreg $0x0  }
0xa8: {  	s5 =	sshll.u32 s28, $0x1;
	[dreg:$0x2] =	wrdreg s3  }
0xa9: {  	[dreg:$0x3] =	wrdreg s5  }
0xaa: {  	[dreg:$0x4] =	wrdreg $0xC0  }
0xab: {  	_ =	task [dreg:s7], $0x5FFFF  }
0xac: {  	[dreg:$0x1] =	wrdreg $0xFFFFFFFF  }
0xad: {  	[dreg:$0x0] =	wrdreg $0x60  }
0xae: {  	[dreg:$0x2] =	wrdreg s2  }
0xaf: {  	[dreg:$0x3] =	wrdreg s24  }
0xb0: {  	[dreg:$0x4] =	wrdreg $0x9  }
0xb1: {  	_ =	task.clear_ibuf [dreg:s7], $0x5FFFF;
	_ =	strace $0x90000046  }
0xb2: {  	s29 =	simm.s32 $0x9;
	_ =	strace $0x80000048  }
0xb3: {  	_ =	swait.ge [sflag:s29], $0x1  }
0xb4: {  	[sflag:s29] =	ssyncadd.s32 $0xFFFFFFFF  }
0xb5: {  	_ =	strace $0x90000048  }
0xb6: {  	_ =	sfence  }
0xb7: {  	s30 =	sld [smem:$0x0];
	_ =	sdelay $0x2  }
0xb8: {  	s31 =	sshll.u32 s1, $0xD;
	s1 =	sshrl.u32 s1, $0x2  }
0xb9: {  	s3 =	sand.u32 $0x4000, s31;
	s1 =	sadd.s32 s1, s30  }
0xba: {  	s0 =	sor.u32 s3, s0;
	s1 =	sshll.u32 s1, $0x11  }
0xbb: {  	s0 =	sor.u32 s1, s0  }
0xbc: {  	s0 =	sadd.s32 $0x8F2B, s0  }
0xbd: {  	[sflag:s0] =	ssyncadd.remote.s32 $0x1  }
0xbe: {  	_ =	sfence.sel $0xFFFF  }
0xbf: {  	[dreg:$0x0] =	wrdreg $0xFFFFFFFF;
	(pc) =	sbr.abs _section_cstart, $3  }
0xc0: {  	[dreg:$0x1] =	wrdreg $0xFFFFFFFF  }
0xc1: {  	_ =	task.clear_ibuf [dreg:s7], $0x2FFFF;
	_ =	strace $0x9FFFFFFF  }
0xc2: {  	(tm) =	ssettm $0x7FFFFFFF  }
0xc3: {  	_ =	shalt  }
tec
execute0_lowered:
.L_overlay_start_1:
0x0: {  	(tag) =	ssettag $0x1  }
0x1: {  	s4 =	rddreg [dreg:$0x0]  }
0x2: {  	s5 =	rddreg [dreg:$0x1]  }
0x3: {  	s0 =	rddreg [dreg:$0x2]  }
0x4: {  	s3 =	srdreg.scid;
	s2 =	simm.s32 $0x0;
	s1 =	stileid.u32  }
0x5: {  	s9 =	simm.s32 $0x400;
	s10 =	simm.s32 $0x1;
	s11 =	simm.s32 $0x0  }
0x6: {  	s6 =	sand.u32 $0x1, s3;
	[smem:$0x7FF] =	sst s2;
	s30 =	sshll.u32 s1, $0xA  }
0x7: {  	s3 =	sadd.s32 $0x1E00, s5;
	s7 =	sshll.u32 s6, $0x9;
	s6 =	ssub.s32 $0x2, s6  }
0x8: {  	_ =	strace $0x80000047;
	s7 =	sor.u32 s7, s30;
	s31 =	sshrl.u32 s6, $0x1  }
0x9: {  	s8 =	sshll.u32 s7, $0x4;
	s7 =	sshrl.u32 s7, $0x3;
	s6 =	ssub.s32 s6, s31  }
0xa: {  	s5 =	sadd.s32 s8, s5;
	s4 =	sadd.s32 s4, s7;
	s6 =	smax.u32 s6, $0x1  }
0xb: {  	s7 =	simm.s32 $0x2;
	s8 =	simm.s32 $0x200;
	s5 =	sadd.s32 $0x401E00, s5  }
.LBB2_1:
0xc: {  	[tilespmem:s2], [sflag:$0x2] =	stream.linear.gather [hbm4b:s4+s2], $0x200, $0x38;
	[tilespmem:$0x10400] =	vst v63  }
0xd: {  	_ =	swait.ge [sflag:s7], $0x200  }
0xe: {  	[sflag:s7] =	ssyncset.done $0x0  }
0xf: {  	s12 =	simm.s32 $0x0;
	[sflag:s7] =	ssyncadd.s32 $0xFFFFFE00  }
0x10: {  	s13 =	simm.s32 $0x40;
	v0 =	vld [tilespmem:s12+$0x0]  }
.LBB2_2:
0x11: {  	p0 =	sne.s32 s13, $0x7C0  }
.Ltmp0:
0x12: {  	_ = 	snop;
	(pc) =	sbr.rel @p0 .LBB2_2-.Ltmp0, $3  }
0x13: {  	_ =	sdelay $0x1  }
0x14: {  	s14 =	sshra.s32 s13, $0x2;
	s13 =	sadd.s32 $0x40, s13;
	v1 =	vand.u32 $0x3FFFF, v0  }
0x15: {  	v0 =	vld [tilespmem:s14+$0x0];
	[tilespmem:s12+$0x200] =	vst v1;
	s12 =	smov.u32 s14  }
0x16: {  	_ =	sdelay $0x3  }
0x17: {  	v0 =	vand.u32 $0x3FFFF, v0  }
0x18: {  	[tilespmem:s12+$0x200] =	vst v0  }
0x19: {  	[tilespmem:s9], [sflag:$0x1] =	stream.indirect.gather [hbm4b:s3+s8], $0x80, s8, s8, $0xb8;
	[tilespmem:$0x10400] =	vst v63  }
0x1a: {  	s11 =	sadd.s32 $0x1, s11;
	_ =	swait.ge [sflag:s10], $0x10000  }
0x1b: {  	p0 =	sne.s32 s11, s6;
	[sflag:s10] =	ssyncset.done $0x0  }
.Ltmp1:
0x1c: {  	[sflag:s10] =	ssyncadd.s32 $0xFFFF0000;
	(pc) =	sbr.rel @p0 .LBB2_1-.Ltmp1, $4  }
0x1d: {  	[hbm4b:s5+s2] =	stream.linear.scatter [tilespmem:s9], [sflag:$0x2], $0x10000, $0x38;
	[tilespmem:$0x10400] =	vst v63  }
0x1e: {  	_ =	swait.ge [sflag:s7], $0x10000  }
0x1f: {  	[sflag:s7] =	ssyncset.done $0x0  }
0x20: {  	[sflag:s7] =	ssyncadd.s32 $0xFFFF0000  }
0x21: {  	_ =	sfence.sel $0x180000  }
0x22: {  	[bflag:$0x0] =	sbarrier.arrive $0xFFFF  }
0x23: {  	p0 =	sne.s32 s1, $0x0;
	_ =	strace $0x90000047  }
0x24: {  	s0 =	sadd.s32 @!p0 $0x100000, s0;
	[bflag:$0x2] =	sbarrier.arrive $0xFFFF  }
0x25: {  	[sflag:s0] =	ssyncadd.tile.s32 @!p0 $0x1;
	_ =	shalt  }
.Lfunc_end2:
_tile_overlayer_lowered:
.L_overlay_start_2:
0x26: {  	(tag) =	ssettag $0x2  }
0x27: {  	s0 =	rddreg [dreg:$0x0];
	s2 =	stileid.u32  }
0x28: {  	s1 =	rddreg [dreg:$0x1];
	p0 =	sne.s32 s2, $0x0  }
0x29: {  	s3 =	rddreg [dreg:$0x2];
	[bflag:$0x3] =	sbarrier.arrive $0xFFFF;
	s2 =	simm.s32 @!p0 $0x1C02  }
0x2a: {  	[timem:s3], [sflag:s2] =	dma.local @!p0 [hbm:s0], s1  }
0x2b: {  	s0 =	simm.s32 @!p0 $0x2  }
0x2c: {  	_ =	swait.ge @!p0 [sflag:s0], s1  }
0x2d: {  	s1 =	ssub.s32 @!p0 $0x0, s1;
	[sflag:s0] =	ssyncset.done @!p0 $0x0  }
0x2e: {  	[sflag:s0] =	ssyncadd.s32 @!p0 s1  }
0x2f: {  	[bflag:$0x3] =	sbarrier.arrive $0xFFFF  }
0x30: {  	_ =	shalt  }

</sc_bundles>
